<compile_context>
chip_gen: v7x
topology: tpu7x:2x2x1
jax: 0.10.2.dev20260603
libtpu: 0.0.44.dev20260713+nightly
codegen_flags: <defaults>
</compile_context>

<pallas_src>
import functools

import jax
import jax.numpy as jnp
from jax import lax
from jax.experimental import pallas as pl
from jax.experimental.pallas import tpu as pltpu
from jax.experimental.pallas import tpu_sc as plsc

_BN_EPS = 1e-5
_MAIN_BLOCK = 4000
_WIN = 128


def _gather_rows_sc(table, idx):
    _, d = table.shape
    b = idx.shape[0]
    info = plsc.get_sparse_core_info()
    nw = info.num_cores * info.num_subcores
    b_per_w = b // nw
    mesh = plsc.VectorSubcoreMesh(core_axis_name="c", subcore_axis_name="s")

    @functools.partial(
        pl.kernel,
        mesh=mesh,
        out_type=jax.ShapeDtypeStruct((b, d), table.dtype),
        scratch_types=[
            pltpu.VMEM((b_per_w,), jnp.int32),
            pltpu.VMEM((b_per_w, d), table.dtype),
            pltpu.SemaphoreType.DMA,
        ],
    )
    def gather_kernel(table_hbm, idx_hbm, out_hbm, idx_v, rows_v, sem):
        wid = lax.axis_index("s") * info.num_cores + lax.axis_index("c")
        base = wid * b_per_w
        pltpu.sync_copy(idx_hbm.at[pl.ds(base, b_per_w)], idx_v)
        pltpu.async_copy(table_hbm.at[idx_v], rows_v, sem).wait()
        pltpu.sync_copy(rows_v, out_hbm.at[pl.ds(base, b_per_w)])

    return gather_kernel(table, idx)


def _fused_body(n_total, n_seg,
                x_ref, gid_ref, fl_ref, wu_ref, wv_ref,
                bv_ref, we_ref, gamma_ref, beta_ref,
                o_ref, stats_ref, fv_ref, acc_ref, wub_ref):
    p = pl.program_id(0)
    i = pl.program_id(1)
    nblocks = pl.num_programs(1)
    d = x_ref.shape[1]

    @pl.when(p == 0)
    def _phase_stats():
        @pl.when(i == 0)
        def _z():
            stats_ref[...] = jnp.zeros_like(stats_ref)

        x = x_ref[...]
        s = jnp.sum(x, axis=0, keepdims=True)
        s2 = jnp.sum(x * x, axis=0, keepdims=True)
        pad = jnp.zeros((6, d), jnp.float32)
        stats_ref[...] += jnp.concatenate([s, s2, pad], axis=0)

    @pl.when(p == 1)
    def _phase_main():
        mean = stats_ref[0:1, :] * (1.0 / n_total)
        var = stats_ref[1:2, :] * (1.0 / n_total) - mean * mean
        rstd = lax.rsqrt(var + _BN_EPS)
        scale = rstd * gamma_ref[...]
        shift = beta_ref[...] - mean * scale
        t_rhs = (((1,), (1,)), ((), ()))

        @pl.when(i == 0)
        def _init():
            u0 = lax.dot_general(shift, wu_ref[...], t_rhs,
                                 preferred_element_type=jnp.float32)
            hl = fl_ref[...] * scale + shift
            fv_ref[0:n_seg, :] = (
                lax.dot_general(hl, wv_ref[...], t_rhs,
                                preferred_element_type=jnp.float32)
                + bv_ref[...] + u0
            ).astype(jnp.bfloat16)
            fv_ref[n_seg:, :] = jnp.zeros((_WIN, fv_ref.shape[1]),
                                          jnp.bfloat16)
            acc_ref[...] = jnp.zeros_like(acc_ref)
            wub_ref[...] = wu_ref[...].astype(jnp.bfloat16)

        x = x_ref[...]
        t = x * scale
        xb = t.astype(jnp.bfloat16)
        h = t + shift
        g_row = gid_ref[0]
        nb_rows = x.shape[0]

        u = lax.dot_general(xb, wub_ref[...], t_rhs,
                            preferred_element_type=jnp.float32)

        def _attend(oh_t, fv_blk):
            vb = lax.dot_general(oh_t, fv_blk, (((0,), (0,)), ((), ())),
                                 preferred_element_type=jnp.float32)
            arg = u + vb
            sgate = 1.0 / (1.0 + jnp.exp(-arg))
            e = lax.dot_general(sgate, we_ref[...], t_rhs,
                                preferred_element_type=jnp.float32)
            w = jnp.exp(e)
            wb = jnp.broadcast_to(w.astype(jnp.bfloat16), (nb_rows, d))
            hwb = (h * w).astype(jnp.bfloat16)
            return jnp.concatenate([hwb, wb], axis=1)

        g0 = gid_ref[0, 0, 0]
        glast = gid_ref[0, 0, nb_rows - 1]
        base = pl.multiple_of((g0 // 16) * 16, 16)
        fits = glast - base < _WIN

        @pl.when(fits)
        def _window_path():
            segw = lax.broadcasted_iota(jnp.int32, (_WIN, nb_rows), 0)
            oh_t = ((g_row - base) == segw).astype(jnp.bfloat16)
            hw2 = _attend(oh_t, fv_ref[pl.ds(base, _WIN), :])
            acc_ref[pl.ds(base, _WIN), :] += jnp.dot(
                oh_t, hw2, preferred_element_type=jnp.float32)

        @pl.when(jnp.logical_not(fits))
        def _full_path():
            seg = lax.broadcasted_iota(jnp.int32, (n_seg, nb_rows), 0)
            oh_t = (g_row == seg).astype(jnp.bfloat16)
            hw2 = _attend(oh_t, fv_ref[0:n_seg, :])
            acc_ref[0:n_seg, :] += jnp.dot(
                oh_t, hw2, preferred_element_type=jnp.float32)

        @pl.when(i == nblocks - 1)
        def _fin():
            aw = acc_ref[0:n_seg, d:d + 1]
            inv = jnp.where(aw > 0, 1.0 / aw, 0.0)
            o_ref[...] = acc_ref[0:n_seg, :d] * inv


def _pad_rows(a, nblk, fill):
    n = a.shape[0]
    npad = -(-n // nblk) * nblk
    if npad == n:
        return a
    return jnp.pad(a, ((0, npad - n),) + ((0, 0),) * (a.ndim - 1),
                   constant_values=fill)


def kernel(feat, graph_id, last_nodes, gamma, beta, Wu, Wv, bv, We):
    n, d = feat.shape
    b = last_nodes.shape[0]
    h_dim = Wu.shape[0]

    feat_last = _gather_rows_sc(feat, last_nodes.astype(jnp.int32))

    feat_m = _pad_rows(feat, _MAIN_BLOCK, 0.0)
    gid = _pad_rows(graph_id.astype(jnp.int32), _MAIN_BLOCK, b)
    gid = gid.reshape(-1, 1, _MAIN_BLOCK)
    nblk = feat_m.shape[0] // _MAIN_BLOCK

    full = lambda p, i: (0, 0)
    out = pl.pallas_call(
        functools.partial(_fused_body, float(n), b),
        grid=(2, nblk),
        in_specs=[
            pl.BlockSpec((_MAIN_BLOCK, d), lambda p, i: (i, 0)),
            pl.BlockSpec((1, 1, _MAIN_BLOCK),
                         lambda p, i: (i * p, 0, 0)),
            pl.BlockSpec((b, d), full),
            pl.BlockSpec((h_dim, d), full),
            pl.BlockSpec((h_dim, d), full),
            pl.BlockSpec((1, h_dim), full),
            pl.BlockSpec((1, h_dim), full),
            pl.BlockSpec((1, d), full),
            pl.BlockSpec((1, d), full),
        ],
        out_specs=pl.BlockSpec((b, d), full),
        out_shape=jax.ShapeDtypeStruct((b, d), jnp.float32),
        scratch_shapes=[
            pltpu.VMEM((8, d), jnp.float32),
            pltpu.VMEM((b + _WIN, h_dim), jnp.bfloat16),
            pltpu.VMEM((b + _WIN, 2 * d), jnp.float32),
            pltpu.VMEM((h_dim, d), jnp.bfloat16),
        ],
    )(feat_m, gid, feat_last, Wu, Wv,
      bv.reshape(1, -1), We, gamma.reshape(1, -1), beta.reshape(1, -1))
    return out

# --- scband reference (transcript-rebuilt; emitter-appended) ---
"""Pipeline reference for scband-attn-readout-8306466751032 (READ-ONLY COPY).

The authoritative reference and input builder live on the scoring server;
editing this copy changes nothing except your own understanding.
"""

import jax, jax.numpy as jnp
import numpy as np

N, D, H, B = 100000, 128, 128, 1024

def setup_inputs(seed: int = 0) -> dict:
    key = jax.random.key(seed)
    ks = jax.random.split(key, 9)
    feat = jax.random.normal(ks[0], (N, D), dtype=jnp.float32)
    graph_id = jnp.sort(jax.random.randint(ks[1], (N,), 0, B))
    last_nodes = jax.random.randint(ks[2], (B,), 0, N)
    gamma = jax.random.uniform(ks[3], (D,), dtype=jnp.float32)
    beta = jax.random.normal(ks[4], (D,), dtype=jnp.float32) * 0.05
    Wu = jax.random.normal(ks[5], (H, D), dtype=jnp.float32) * 0.05
    Wv = jax.random.normal(ks[6], (H, D), dtype=jnp.float32) * 0.05
    bv = jax.random.normal(ks[7], (H,), dtype=jnp.float32) * 0.05
    We = jax.random.normal(ks[8], (1, H), dtype=jnp.float32) * 0.05
    return {"feat": feat, "graph_id": graph_id, "last_nodes": last_nodes,
            "gamma": gamma, "beta": beta, "Wu": Wu, "Wv": Wv, "bv": bv, "We": We}

def reference(feat, graph_id, last_nodes, gamma, beta, Wu, Wv, bv, We):
    nseg = last_nodes.shape[0]
    # BatchNorm1d (training-mode batch statistics, eps=1e-5)
    mean = jnp.mean(feat, axis=0)
    var = jnp.mean((feat - mean) ** 2, axis=0)
    h = (feat - mean) / jnp.sqrt(var + 1e-5) * gamma + beta
    # fc_u / fc_v
    feat_u = h @ Wu.T                               # [N, H]
    feat_v = h[last_nodes] @ Wv.T + bv              # [B, H]
    # broadcast_nodes: per-graph vector broadcast to each node
    feat_v_b = feat_v[graph_id]                     # [N, H]
    # attn_e(sigmoid(feat_u + feat_v))
    e = jax.nn.sigmoid(feat_u + feat_v_b) @ We.T    # [N, 1]
    # softmax_nodes: segment softmax over nodes of each graph
    emax = jax.ops.segment_max(e, graph_id, num_segments=nseg)
    emax = jnp.where(jnp.isfinite(emax), emax, 0.0)
    eexp = jnp.exp(e - emax[graph_id])
    esum = jax.ops.segment_sum(eexp, graph_id, num_segments=nseg)
    alpha = eexp / esum[graph_id]                   # [N, 1]
    # sum_nodes of feat * alpha; fc_out is Identity (output_dim == input_dim)
    rst = jax.ops.segment_sum(h * alpha, graph_id, num_segments=nseg)  # [B, D]
    return rst

if __name__ == "__main__":
    import jax
    _d = setup_inputs()
    print(jax.jit(kernel)(*tuple(_d.values())))

</pallas_src>

<mosaic_0001>
#map = affine_map<(d0, d1) -> (0, 0)>
#map1 = affine_map<(d0, d1) -> (0)>
module attributes {stable_mosaic.version = 14 : i64} {
  func.func @gather_kernel(%arg0: i32, %arg1: i32, %arg2: memref<100000x128xf32, #tpu.memory_space<hbm>>, %arg3: memref<1024xi32, #tpu.memory_space<hbm>>, %arg4: memref<1024x128xf32, #tpu.memory_space<hbm>>, %arg5: memref<32xi32, #tpu.memory_space<vmem>>, %arg6: memref<32x128xf32, #tpu.memory_space<vmem>>, %arg7: memref<!tpu.dma_semaphore, #tpu.memory_space<semaphore_mem>>) attributes {dimension_semantics = [#tpu.dimension_semantics<core_parallel>, #tpu.dimension_semantics<subcore_parallel>], iteration_bounds = array<i64: 2, 16>, scalar_prefetch = 0 : i64, scratch_operands = 3 : i64, tpu.core_type = #tpu.core_type<sc_vector_subcore>, window_params = [{transform_indices = #map}, {transform_indices = #map1}, {transform_indices = #map}]} {
    %mul3A = arith.constant 2 : i32
    %mul3A_0 = arith.muli %arg1, %mul3A : i32
    %add3A = arith.addi %mul3A_0, %arg0 : i32
    %mul3A_1 = arith.constant 32 : i32
    %mul3A_2 = arith.muli %add3A, %mul3A_1 : i32
    "tpu.region"() ({
      %run_scoped3A = tpu.sem_alloc : memref<!tpu.dma_semaphore, #tpu.memory_space<semaphore_mem>>
      %dma_start3A_7 = tpu.memref_slice %arg3[%mul3A_2] : memref<1024xi32, #tpu.memory_space<hbm>> -> memref<32xi32, #tpu.memory_space<hbm>>
      %dma_start3A_8 = tpu.memref_slice %arg3[%mul3A_2] : memref<1024xi32, #tpu.memory_space<hbm>> -> memref<32xi32, #tpu.memory_space<hbm>>
      tpu.enqueue_dma source(%dma_start3A_8 : memref<32xi32, #tpu.memory_space<hbm>>) target(%arg5 : memref<32xi32, #tpu.memory_space<vmem>>) target_semaphore(%run_scoped3A : memref<!tpu.dma_semaphore, #tpu.memory_space<semaphore_mem>>)
      %dma_wait3A_9 = tpu.memref_slice %arg3[%mul3A_2] : memref<1024xi32, #tpu.memory_space<hbm>> -> memref<32xi32, #tpu.memory_space<hbm>>
      %dma_wait3A_10 = tpu.memref_slice %arg3[%mul3A_2] : memref<1024xi32, #tpu.memory_space<hbm>> -> memref<32xi32, #tpu.memory_space<hbm>>
      tpu.wait_dma2 semaphore(%run_scoped3A : memref<!tpu.dma_semaphore, #tpu.memory_space<semaphore_mem>>) src(%dma_wait3A_10 : memref<32xi32, #tpu.memory_space<hbm>>) dst(%arg5 : memref<32xi32, #tpu.memory_space<vmem>>)
      tpu.yield
    }) : () -> ()
    %dma_start3A = arith.constant 0 : i32
    %dma_start3A_3 = arith.constant 0 : i32
    %dma_start3A_4 = tpu.memref_slice %arg2[%dma_start3A, %dma_start3A_3] : memref<100000x128xf32, #tpu.memory_space<hbm>> -> memref<100000x128xf32, #tpu.memory_space<hbm>>
    tpu.enqueue_indirect_dma source(%dma_start3A_4 : memref<100000x128xf32, #tpu.memory_space<hbm>>) target(%arg6 : memref<32x128xf32, #tpu.memory_space<vmem>>) offsets(%arg5 : memref<32xi32, #tpu.memory_space<vmem>>) semaphore(%arg7 : memref<!tpu.dma_semaphore, #tpu.memory_space<semaphore_mem>>)
    %dma_wait3A = arith.constant 0 : i32
    %dma_wait3A_5 = arith.constant 0 : i32
    %dma_wait3A_6 = tpu.memref_slice %arg2[%dma_wait3A, %dma_wait3A_5] : memref<100000x128xf32, #tpu.memory_space<hbm>> -> memref<100000x128xf32, #tpu.memory_space<hbm>>
    tpu.wait_indirect_dma semaphore(%arg7 : memref<!tpu.dma_semaphore, #tpu.memory_space<semaphore_mem>>) src(%dma_wait3A_6 : memref<100000x128xf32, #tpu.memory_space<hbm>>) dst(%arg6 : memref<32x128xf32, #tpu.memory_space<vmem>>)
    "tpu.region"() ({
      %run_scoped3A = tpu.sem_alloc : memref<!tpu.dma_semaphore, #tpu.memory_space<semaphore_mem>>
      %dma_start3A_7 = arith.constant 0 : i32
      %dma_start3A_8 = tpu.memref_slice %arg4[%mul3A_2, %dma_start3A_7] : memref<1024x128xf32, #tpu.memory_space<hbm>> -> memref<32x128xf32, #tpu.memory_space<hbm>>
      %dma_start3A_9 = arith.constant 0 : i32
      %dma_start3A_10 = tpu.memref_slice %arg4[%mul3A_2, %dma_start3A_9] : memref<1024x128xf32, #tpu.memory_space<hbm>> -> memref<32x128xf32, #tpu.memory_space<hbm>>
      tpu.enqueue_dma source(%arg6 : memref<32x128xf32, #tpu.memory_space<vmem>>) target(%dma_start3A_10 : memref<32x128xf32, #tpu.memory_space<hbm>>) target_semaphore(%run_scoped3A : memref<!tpu.dma_semaphore, #tpu.memory_space<semaphore_mem>>)
      %dma_wait3A_11 = arith.constant 0 : i32
      %dma_wait3A_12 = tpu.memref_slice %arg4[%mul3A_2, %dma_wait3A_11] : memref<1024x128xf32, #tpu.memory_space<hbm>> -> memref<32x128xf32, #tpu.memory_space<hbm>>
      %dma_wait3A_13 = arith.constant 0 : i32
      %dma_wait3A_14 = tpu.memref_slice %arg4[%mul3A_2, %dma_wait3A_13] : memref<1024x128xf32, #tpu.memory_space<hbm>> -> memref<32x128xf32, #tpu.memory_space<hbm>>
      tpu.wait_dma2 semaphore(%run_scoped3A : memref<!tpu.dma_semaphore, #tpu.memory_space<semaphore_mem>>) src(%arg6 : memref<32x128xf32, #tpu.memory_space<vmem>>) dst(%dma_wait3A_14 : memref<32x128xf32, #tpu.memory_space<hbm>>)
      tpu.yield
    }) : () -> ()
    return
  }
}

module attributes {stable_mosaic.version = 14 : i64} {
  func.func @_fused_body(%arg0: i32, %arg1: i32, %arg2: memref<4000x128xf32, #tpu.memory_space<vmem>>, %arg3: memref<1x1x4000xi32, #tpu.memory_space<vmem>>, %arg4: memref<1024x128xf32, #tpu.memory_space<vmem>>, %arg5: memref<128x128xf32, #tpu.memory_space<vmem>>, %arg6: memref<128x128xf32, #tpu.memory_space<vmem>>, %arg7: memref<1x128xf32, #tpu.memory_space<vmem>>, %arg8: memref<1x128xf32, #tpu.memory_space<vmem>>, %arg9: memref<1x128xf32, #tpu.memory_space<vmem>>, %arg10: memref<1x128xf32, #tpu.memory_space<vmem>>, %arg11: memref<1024x128xf32, #tpu.memory_space<vmem>>, %arg12: memref<8x128xf32, #tpu.memory_space<vmem>>, %arg13: memref<1152x128xbf16, #tpu.memory_space<vmem>>, %arg14: memref<1152x256xf32, #tpu.memory_space<vmem>>, %arg15: memref<128x128xbf16, #tpu.memory_space<vmem>>) attributes {dimension_semantics = [#tpu.dimension_semantics<arbitrary>, #tpu.dimension_semantics<arbitrary>], iteration_bounds = array<i64: 2, 25>, scalar_prefetch = 0 : i64, scratch_operands = 4 : i64, tpu.core_type = #tpu.core_type<tc>, window_params = [{transform_indices = @transform_0, window_bounds = array<i64: 4000, 128>}, {transform_indices = @transform_1, window_bounds = array<i64: 1, 1, 4000>}, {pipeline_mode = #tpu.pipeline_mode<synchronous>, transform_indices = @transform_2, window_bounds = array<i64: 1024, 128>}, {pipeline_mode = #tpu.pipeline_mode<synchronous>, transform_indices = @transform_3, window_bounds = array<i64: 128, 128>}, {pipeline_mode = #tpu.pipeline_mode<synchronous>, transform_indices = @transform_4, window_bounds = array<i64: 128, 128>}, {pipeline_mode = #tpu.pipeline_mode<synchronous>, transform_indices = @transform_5, window_bounds = array<i64: 1, 128>}, {pipeline_mode = #tpu.pipeline_mode<synchronous>, transform_indices = @transform_6, window_bounds = array<i64: 1, 128>}, {pipeline_mode = #tpu.pipeline_mode<synchronous>, transform_indices = @transform_7, window_bounds = array<i64: 1, 128>}, {pipeline_mode = #tpu.pipeline_mode<synchronous>, transform_indices = @transform_8, window_bounds = array<i64: 1, 128>}, {pipeline_mode = #tpu.pipeline_mode<synchronous>, transform_indices = @transform_9, window_bounds = array<i64: 1024, 128>}]} {
    %eq3A = arith.constant 0 : i32
    %eq3A_0 = arith.cmpi eq, %arg0, %eq3A : i32
    %convert_element_type3A = arith.extui %eq3A_0 : i1 to i32
    %cond3A = arith.constant 0 : i32
    %cond3A_1 = arith.cmpi ne, %convert_element_type3A, %cond3A : i32
    scf.if %cond3A_1 {
      %eq3A_7 = arith.constant 0 : i32
      %eq3A_8 = arith.cmpi eq, %arg1, %eq3A_7 : i32
      %convert_element_type3A_9 = arith.extui %eq3A_8 : i1 to i32
      %cond3A_10 = arith.constant 0 : i32
      %cond3A_11 = arith.cmpi ne, %convert_element_type3A_9, %cond3A_10 : i32
      scf.if %cond3A_11 {
        %broadcast_in_dim3A_25 = arith.constant 0.000000e+00 : f32
        %broadcast_in_dim3A_26 = vector.broadcast %broadcast_in_dim3A_25 : f32 to vector<8x128xf32>
        %swap3A_27 = arith.constant 0 : index
        %swap3A_28 = arith.constant 0 : index
        %swap3A_29 = vector.load %arg12[%swap3A_27, %swap3A_28] : memref<8x128xf32, #tpu.memory_space<vmem>>, vector<8x128xf32>
        tpu.vector_store %arg12[%swap3A_27, %swap3A_28], %broadcast_in_dim3A_26 {strides = array<i32>} : memref<8x128xf32, #tpu.memory_space<vmem>>, vector<8x128xf32>,
      } else {
      }
      %get3A = arith.constant 0 : index
      %get3A_12 = arith.constant 0 : index
      %get3A_13 = vector.load %arg2[%get3A, %get3A_12] : memref<4000x128xf32, #tpu.memory_space<vmem>>, vector<4000x128xf32>
      %reduce_sum3A = arith.constant dense<0.000000e+00> : vector<128xf32>
      %reduce_sum3A_14 = vector.multi_reduction <add>, %get3A_13, %reduce_sum3A [0] : vector<4000x128xf32> to vector<128xf32>
      %broadcast_in_dim3A = vector.shape_cast %reduce_sum3A_14 : vector<128xf32> to vector<1x128xf32>
      %mul3A = arith.mulf %get3A_13, %get3A_13 : vector<4000x128xf32>
      %reduce_sum3A_15 = arith.constant dense<0.000000e+00> : vector<128xf32>
      %reduce_sum3A_16 = vector.multi_reduction <add>, %mul3A, %reduce_sum3A_15 [0] : vector<4000x128xf32> to vector<128xf32>
      %broadcast_in_dim3A_17 = vector.shape_cast %reduce_sum3A_16 : vector<128xf32> to vector<1x128xf32>
      %broadcast_in_dim3A_18 = arith.constant 0.000000e+00 : f32
      %broadcast_in_dim3A_19 = vector.broadcast %broadcast_in_dim3A_18 : f32 to vector<6x128xf32>
      %get3A_20 = arith.constant 0 : index
      %get3A_21 = arith.constant 0 : index
      %get3A_22 = vector.load %arg12[%get3A_20, %get3A_21] : memref<8x128xf32, #tpu.memory_space<vmem>>, vector<8x128xf32>
      %concatenate3A = tpu.concatenate %broadcast_in_dim3A, %broadcast_in_dim3A_17, %broadcast_in_dim3A_19 in 0 : vector<1x128xf32>, vector<1x128xf32>, vector<6x128xf32> -> vector<8x128xf32>
      %add3A = arith.addf %get3A_22, %concatenate3A : vector<8x128xf32>
      %swap3A = arith.constant 0 : index
      %swap3A_23 = arith.constant 0 : index
      %swap3A_24 = vector.load %arg12[%swap3A, %swap3A_23] : memref<8x128xf32, #tpu.memory_space<vmem>>, vector<8x128xf32>
      tpu.vector_store %arg12[%swap3A, %swap3A_23], %add3A {strides = array<i32>} : memref<8x128xf32, #tpu.memory_space<vmem>>, vector<8x128xf32>,
    } else {
    }
    %eq3A_2 = arith.constant 1 : i32
    %eq3A_3 = arith.cmpi eq, %arg0, %eq3A_2 : i32
    %convert_element_type3A_4 = arith.extui %eq3A_3 : i1 to i32
    %cond3A_5 = arith.constant 0 : i32
    %cond3A_6 = arith.cmpi ne, %convert_element_type3A_4, %cond3A_5 : i32
    scf.if %cond3A_6 {
      %get3A = arith.constant 0 : index
      %get3A_7 = arith.constant 0 : index
      %get3A_8 = vector.load %arg12[%get3A, %get3A_7] : memref<8x128xf32, #tpu.memory_space<vmem>>, vector<1x128xf32>
      %mul3A = arith.constant 9.99999974E-6 : f32
      %mul3A_9 = vector.broadcast %mul3A : f32 to vector<1x128xf32>
      %mul3A_10 = arith.mulf %get3A_8, %mul3A_9 : vector<1x128xf32>
      %get3A_11 = arith.constant 1 : index
      %get3A_12 = arith.constant 0 : index
      %get3A_13 = vector.load %arg12[%get3A_11, %get3A_12] : memref<8x128xf32, #tpu.memory_space<vmem>>, vector<1x128xf32>
      %mul3A_14 = arith.constant 9.99999974E-6 : f32
      %mul3A_15 = vector.broadcast %mul3A_14 : f32 to vector<1x128xf32>
      %mul3A_16 = arith.mulf %get3A_13, %mul3A_15 : vector<1x128xf32>
      %mul3A_17 = arith.mulf %mul3A_10, %mul3A_10 : vector<1x128xf32>
      %sub3A = arith.subf %mul3A_16, %mul3A_17 : vector<1x128xf32>
      %add3A = arith.constant 9.99999974E-6 : f32
      %add3A_18 = vector.broadcast %add3A : f32 to vector<1x128xf32>
      %add3A_19 = arith.addf %sub3A, %add3A_18 : vector<1x128xf32>
      %rsqrt3A = math.rsqrt %add3A_19 : vector<1x128xf32>
      %get3A_20 = arith.constant 0 : index
      %get3A_21 = arith.constant 0 : index
      %get3A_22 = vector.load %arg9[%get3A_20, %get3A_21] : memref<1x128xf32, #tpu.memory_space<vmem>>, vector<1x128xf32>
      %mul3A_23 = arith.mulf %rsqrt3A, %get3A_22 : vector<1x128xf32>
      %get3A_24 = arith.constant 0 : index
      %get3A_25 = arith.constant 0 : index
      %get3A_26 = vector.load %arg10[%get3A_24, %get3A_25] : memref<1x128xf32, #tpu.memory_space<vmem>>, vector<1x128xf32>
      %mul3A_27 = arith.mulf %mul3A_10, %mul3A_23 : vector<1x128xf32>
      %sub3A_28 = arith.subf %get3A_26, %mul3A_27 : vector<1x128xf32>
      %eq3A_29 = arith.constant 0 : i32
      %eq3A_30 = arith.cmpi eq, %arg1, %eq3A_29 : i32
      %convert_element_type3A_31 = arith.extui %eq3A_30 : i1 to i32
      %cond3A_32 = arith.constant 0 : i32
      %cond3A_33 = arith.cmpi ne, %convert_element_type3A_31, %cond3A_32 : i32
      scf.if %cond3A_33 {
        %get3A_94 = arith.constant 0 : index
        %get3A_95 = arith.constant 0 : index
        %get3A_96 = vector.load %arg5[%get3A_94, %get3A_95] : memref<128x128xf32, #tpu.memory_space<vmem>>, vector<128x128xf32>
        %dot_general3A_97 = arith.constant dense<0.000000e+00> : vector<1x128xf32>
        %dot_general3A_98 = tpu.matmul %sub3A_28, %get3A_96, %dot_general3A_97 {dimension_numbers = #tpu.dot_dimension_numbers<[1], [1], [0], [0], [0, 0, 1, 0], [], []>, transpose_lhs_hint = false} : vector<1x128xf32>, vector<128x128xf32>, vector<1x128xf32> -> vector<1x128xf32>
        %get3A_99 = arith.constant 0 : index
        %get3A_100 = arith.constant 0 : index
        %get3A_101 = vector.load %arg4[%get3A_99, %get3A_100] : memref<1024x128xf32, #tpu.memory_space<vmem>>, vector<1024x128xf32>
        %mul3A_102 = vector.broadcast %mul3A_23 : vector<1x128xf32> to vector<1024x128xf32>
        %mul3A_103 = arith.mulf %get3A_101, %mul3A_102 : vector<1024x128xf32>
        %add3A_104 = vector.broadcast %sub3A_28 : vector<1x128xf32> to vector<1024x128xf32>
        %add3A_105 = arith.addf %mul3A_103, %add3A_104 : vector<1024x128xf32>
        %get3A_106 = arith.constant 0 : index
        %get3A_107 = arith.constant 0 : index
        %get3A_108 = vector.load %arg6[%get3A_106, %get3A_107] : memref<128x128xf32, #tpu.memory_space<vmem>>, vector<128x128xf32>
        %dot_general3A_109 = arith.constant dense<0.000000e+00> : vector<1024x128xf32>
        %dot_general3A_110 = tpu.matmul %add3A_105, %get3A_108, %dot_general3A_109 {dimension_numbers = #tpu.dot_dimension_numbers<[1], [1], [0], [0], [0, 0, 1, 0], [], []>, transpose_lhs_hint = false} : vector<1024x128xf32>, vector<128x128xf32>, vector<1024x128xf32> -> vector<1024x128xf32>
        %get3A_111 = arith.constant 0 : index
        %get3A_112 = arith.constant 0 : index
        %get3A_113 = vector.load %arg7[%get3A_111, %get3A_112] : memref<1x128xf32, #tpu.memory_space<vmem>>, vector<1x128xf32>
        %add3A_114 = vector.broadcast %get3A_113 : vector<1x128xf32> to vector<1024x128xf32>
        %add3A_115 = arith.addf %dot_general3A_110, %add3A_114 : vector<1024x128xf32>
        %add3A_116 = vector.broadcast %dot_general3A_98 : vector<1x128xf32> to vector<1024x128xf32>
        %add3A_117 = arith.addf %add3A_115, %add3A_116 : vector<1024x128xf32>
        %convert_element_type3A_118 = arith.truncf %add3A_117 : vector<1024x128xf32> to vector<1024x128xbf16>
        %swap3A = arith.constant 0 : index
        %swap3A_119 = arith.constant 0 : index
        %swap3A_120 = vector.load %arg13[%swap3A, %swap3A_119] : memref<1152x128xbf16, #tpu.memory_space<vmem>>, vector<1024x128xbf16>
        tpu.vector_store %arg13[%swap3A, %swap3A_119], %convert_element_type3A_118 {strides = array<i32>} : memref<1152x128xbf16, #tpu.memory_space<vmem>>, vector<1024x128xbf16>,
        %broadcast_in_dim3A = arith.constant 0.000000e+00 : bf16
        %broadcast_in_dim3A_121 = vector.broadcast %broadcast_in_dim3A : bf16 to vector<128x128xbf16>
        %swap3A_122 = arith.constant 1024 : index
        %swap3A_123 = arith.constant 0 : index
        %swap3A_124 = vector.load %arg13[%swap3A_122, %swap3A_123] : memref<1152x128xbf16, #tpu.memory_space<vmem>>, vector<128x128xbf16>
        tpu.vector_store %arg13[%swap3A_122, %swap3A_123], %broadcast_in_dim3A_121 {strides = array<i32>} : memref<1152x128xbf16, #tpu.memory_space<vmem>>, vector<128x128xbf16>,
        %broadcast_in_dim3A_125 = arith.constant 0.000000e+00 : f32
        %broadcast_in_dim3A_126 = vector.broadcast %broadcast_in_dim3A_125 : f32 to vector<1152x256xf32>
        %swap3A_127 = arith.constant 0 : index
        %swap3A_128 = arith.constant 0 : index
        %swap3A_129 = vector.load %arg14[%swap3A_127, %swap3A_128] : memref<1152x256xf32, #tpu.memory_space<vmem>>, vector<1152x256xf32>
        tpu.vector_store %arg14[%swap3A_127, %swap3A_128], %broadcast_in_dim3A_126 {strides = array<i32>} : memref<1152x256xf32, #tpu.memory_space<vmem>>, vector<1152x256xf32>,
        %get3A_130 = arith.constant 0 : index
        %get3A_131 = arith.constant 0 : index
        %get3A_132 = vector.load %arg5[%get3A_130, %get3A_131] : memref<128x128xf32, #tpu.memory_space<vmem>>, vector<128x128xf32>
        %convert_element_type3A_133 = arith.truncf %get3A_132 : vector<128x128xf32> to vector<128x128xbf16>
        %swap3A_134 = arith.constant 0 : index
        %swap3A_135 = arith.constant 0 : index
        %swap3A_136 = vector.load %arg15[%swap3A_134, %swap3A_135] : memref<128x128xbf16, #tpu.memory_space<vmem>>, vector<128x128xbf16>
        tpu.vector_store %arg15[%swap3A_134, %swap3A_135], %convert_element_type3A_133 {strides = array<i32>} : memref<128x128xbf16, #tpu.memory_space<vmem>>, vector<128x128xbf16>,
      } else {
      }
      %get3A_34 = arith.constant 0 : index
      %get3A_35 = arith.constant 0 : index
      %get3A_36 = vector.load %arg2[%get3A_34, %get3A_35] : memref<4000x128xf32, #tpu.memory_space<vmem>>, vector<4000x128xf32>
      %mul3A_37 = vector.broadcast %mul3A_23 : vector<1x128xf32> to vector<4000x128xf32>
      %mul3A_38 = arith.mulf %get3A_36, %mul3A_37 : vector<4000x128xf32>
      %convert_element_type3A_39 = arith.truncf %mul3A_38 : vector<4000x128xf32> to vector<4000x128xbf16>
      %add3A_40 = vector.broadcast %sub3A_28 : vector<1x128xf32> to vector<4000x128xf32>
      %add3A_41 = arith.addf %mul3A_38, %add3A_40 : vector<4000x128xf32>
      %get3A_42 = arith.constant 0 : index
      %get3A_43 = arith.constant 0 : index
      %get3A_44 = arith.constant 0 : index
      %get3A_45 = vector.load %arg3[%get3A_42, %get3A_43, %get3A_44] : memref<1x1x4000xi32, #tpu.memory_space<vmem>>, vector<1x1x4000xi32>
      %get3A_46 = vector.shape_cast %get3A_45 : vector<1x1x4000xi32> to vector<1x4000xi32>
      %get3A_47 = arith.constant 0 : index
      %get3A_48 = arith.constant 0 : index
      %get3A_49 = vector.load %arg15[%get3A_47, %get3A_48] : memref<128x128xbf16, #tpu.memory_space<vmem>>, vector<128x128xbf16>
      %dot_general3A = arith.constant dense<0.000000e+00> : vector<4000x128xf32>
      %dot_general3A_50 = tpu.matmul %convert_element_type3A_39, %get3A_49, %dot_general3A {dimension_numbers = #tpu.dot_dimension_numbers<[1], [1], [0], [0], [0, 0, 1, 0], [], []>, transpose_lhs_hint = false} : vector<4000x128xbf16>, vector<128x128xbf16>, vector<4000x128xf32> -> vector<4000x128xf32>
      %get3A_51 = arith.constant 0 : index
      %get3A_52 = arith.constant 0 : index
      %get3A_53 = arith.constant 0 : index
      %get3A_54 = vector.load %arg3[%get3A_51, %get3A_52, %get3A_53] : memref<1x1x4000xi32, #tpu.memory_space<vmem>>, vector<1x1x1xi32>
      %get3A_55 = vector.extract %get3A_54[0, 0, 0] : i32 from vector<1x1x1xi32>
      %get3A_56 = arith.constant 0 : index
      %get3A_57 = arith.constant 0 : index
      %get3A_58 = arith.constant 3999 : index
      %get3A_59 = vector.load %arg3[%get3A_56, %get3A_57, %get3A_58] : memref<1x1x4000xi32, #tpu.memory_space<vmem>>, vector<1x1x1xi32>
      %get3A_60 = vector.extract %get3A_59[0, 0, 0] : i32 from vector<1x1x1xi32>
      %jit3A = arith.constant 16 : i32
      %div3A = arith.divsi %get3A_55, %jit3A : i32
      %sign3A = arith.constant 0 : i32
      %sign3A_61 = arith.cmpi sgt, %get3A_55, %sign3A : i32
      %sign3A_62 = arith.extui %sign3A_61 : i1 to i32
      %sign3A_63 = arith.constant 0 : i32
      %sign3A_64 = arith.cmpi slt, %get3A_55, %sign3A_63 : i32
      %sign3A_65 = arith.extui %sign3A_64 : i1 to i32
      %sign3A_66 = arith.subi %sign3A_62, %sign3A_65 : i32
      %sign3A_67 = arith.constant 0 : i32
      %sign3A_68 = arith.cmpi sgt, %jit3A, %sign3A_67 : i32
      %sign3A_69 = arith.extui %sign3A_68 : i1 to i32
      %sign3A_70 = arith.constant 0 : i32
      %sign3A_71 = arith.cmpi slt, %jit3A, %sign3A_70 : i32
      %sign3A_72 = arith.extui %sign3A_71 : i1 to i32
      %sign3A_73 = arith.subi %sign3A_69, %sign3A_72 : i32
      %ne3A = arith.cmpi ne, %sign3A_66, %sign3A_73 : i32
      %rem3A = arith.remsi %get3A_55, %jit3A : i32
      %ne3A_74 = arith.constant 0 : i32
      %ne3A_75 = arith.cmpi ne, %rem3A, %ne3A_74 : i32
      %and3A = arith.andi %ne3A, %ne3A_75 : i1
      %sub3A_76 = arith.constant 1 : i32
      %sub3A_77 = arith.subi %div3A, %sub3A_76 : i32
      %select_n3A = arith.select %and3A, %sub3A_77, %div3A : i32
      %mul3A_78 = arith.constant 16 : i32
      %mul3A_79 = arith.muli %select_n3A, %mul3A_78 : i32
      %multiple_of3A = tpu.assume_multiple %mul3A_79, 16 : i32
      %sub3A_80 = arith.subi %get3A_60, %multiple_of3A : i32
      %lt3A = arith.constant 128 : i32
      %lt3A_81 = arith.cmpi slt, %sub3A_80, %lt3A : i32
      %convert_element_type3A_82 = arith.extui %lt3A_81 : i1 to i32
      %cond3A_83 = arith.constant 0 : i32
      %cond3A_84 = arith.cmpi ne, %convert_element_type3A_82, %cond3A_83 : i32
      scf.if %cond3A_84 {
        %iota3A = tpu.iota {dimensions = array<i32: 0>} : vector<128x4000xi32>
        %sub3A_94 = vector.broadcast %multiple_of3A : i32 to vector<1x4000xi32>
        %sub3A_95 = arith.subi %get3A_46, %sub3A_94 : vector<1x4000xi32>
        %eq3A_96 = vector.broadcast %sub3A_95 : vector<1x4000xi32> to vector<128x4000xi32>
        %eq3A_97 = arith.cmpi eq, %eq3A_96, %iota3A : vector<128x4000xi32>
        %convert_element_type3A_98 = arith.extui %eq3A_97 : vector<128x4000xi1> to vector<128x4000xi32>
        %convert_element_type3A_99 = arith.sitofp %convert_element_type3A_98 : vector<128x4000xi32> to vector<128x4000xf32>
        %convert_element_type3A_100 = arith.truncf %convert_element_type3A_99 : vector<128x4000xf32> to vector<128x4000xbf16>
        %get3A_101 = arith.index_cast %multiple_of3A : i32 to index
        %get3A_102 = arith.constant 0 : index
        %get3A_103 = vector.load %arg13[%get3A_101, %get3A_102] : memref<1152x128xbf16, #tpu.memory_space<vmem>>, vector<128x128xbf16>
        %dot_general3A_104 = arith.constant dense<0.000000e+00> : vector<4000x128xf32>
        %dot_general3A_105 = tpu.matmul %convert_element_type3A_100, %get3A_103, %dot_general3A_104 {dimension_numbers = #tpu.dot_dimension_numbers<[0], [0], [1], [1], [0, 1, 1, 1], [], []>, transpose_lhs_hint = false} : vector<128x4000xbf16>, vector<128x128xbf16>, vector<4000x128xf32> -> vector<4000x128xf32>
        %add3A_106 = arith.addf %dot_general3A_50, %dot_general3A_105 : vector<4000x128xf32>
        %neg3A = arith.constant 0.000000e+00 : f32
        %neg3A_107 = vector.broadcast %neg3A : f32 to vector<4000x128xf32>
        %neg3A_108 = arith.subf %neg3A_107, %add3A_106 : vector<4000x128xf32>
        %exp3A = math.exp %neg3A_108 : vector<4000x128xf32>
        %add3A_109 = arith.constant 1.000000e+00 : f32
        %add3A_110 = vector.broadcast %add3A_109 : f32 to vector<4000x128xf32>
        %add3A_111 = arith.addf %add3A_110, %exp3A : vector<4000x128xf32>
        %div3A_112 = arith.constant 1.000000e+00 : f32
        %div3A_113 = vector.broadcast %div3A_112 : f32 to vector<4000x128xf32>
        %div3A_114 = arith.divf %div3A_113, %add3A_111 : vector<4000x128xf32>
        %get3A_115 = arith.constant 0 : index
        %get3A_116 = arith.constant 0 : index
        %get3A_117 = vector.load %arg8[%get3A_115, %get3A_116] : memref<1x128xf32, #tpu.memory_space<vmem>>, vector<1x128xf32>
        %dot_general3A_118 = arith.constant dense<0.000000e+00> : vector<4000x1xf32>
        %dot_general3A_119 = tpu.matmul %div3A_114, %get3A_117, %dot_general3A_118 {dimension_numbers = #tpu.dot_dimension_numbers<[1], [1], [0], [0], [0, 0, 1, 0], [], []>, transpose_lhs_hint = false} : vector<4000x128xf32>, vector<1x128xf32>, vector<4000x1xf32> -> vector<4000x1xf32>
        %exp3A_120 = math.exp %dot_general3A_119 : vector<4000x1xf32>
        %convert_element_type3A_121 = arith.truncf %exp3A_120 : vector<4000x1xf32> to vector<4000x1xbf16>
        %broadcast_in_dim3A = vector.shape_cast %convert_element_type3A_121 : vector<4000x1xbf16> to vector<4000x1xbf16>
        %broadcast_in_dim3A_122 = vector.broadcast %broadcast_in_dim3A : vector<4000x1xbf16> to vector<4000x128xbf16>
        %mul3A_123 = vector.broadcast %exp3A_120 : vector<4000x1xf32> to vector<4000x128xf32>
        %mul3A_124 = arith.mulf %add3A_41, %mul3A_123 : vector<4000x128xf32>
        %convert_element_type3A_125 = arith.truncf %mul3A_124 : vector<4000x128xf32> to vector<4000x128xbf16>
        %concatenate3A = tpu.concatenate %convert_element_type3A_125, %broadcast_in_dim3A_122 in 1 : vector<4000x128xbf16>, vector<4000x128xbf16> -> vector<4000x256xbf16>
        %get3A_126 = arith.index_cast %multiple_of3A : i32 to index
        %get3A_127 = arith.constant 0 : index
        %get3A_128 = vector.load %arg14[%get3A_126, %get3A_127] : memref<1152x256xf32, #tpu.memory_space<vmem>>, vector<128x256xf32>
        %dot_general3A_129 = arith.constant dense<0.000000e+00> : vector<128x256xf32>
        %dot_general3A_130 = tpu.matmul %convert_element_type3A_100, %concatenate3A, %dot_general3A_129 {dimension_numbers = #tpu.dot_dimension_numbers<[1], [0], [0], [1], [0, 0, 1, 1], [], []>, transpose_lhs_hint = false} : vector<128x4000xbf16>, vector<4000x256xbf16>, vector<128x256xf32> -> vector<128x256xf32>
        %add3A_131 = arith.addf %get3A_128, %dot_general3A_130 : vector<128x256xf32>
        %swap3A = arith.index_cast %multiple_of3A : i32 to index
        %swap3A_132 = arith.constant 0 : index
        %swap3A_133 = vector.load %arg14[%swap3A, %swap3A_132] : memref<1152x256xf32, #tpu.memory_space<vmem>>, vector<128x256xf32>
        tpu.vector_store %arg14[%swap3A, %swap3A_132], %add3A_131 {strides = array<i32>} : memref<1152x256xf32, #tpu.memory_space<vmem>>, vector<128x256xf32>,
      } else {
      }
      %not3A = arith.constant true
      %not3A_85 = arith.xori %lt3A_81, %not3A : i1
      %convert_element_type3A_86 = arith.extui %not3A_85 : i1 to i32
      %cond3A_87 = arith.constant 0 : i32
      %cond3A_88 = arith.cmpi ne, %convert_element_type3A_86, %cond3A_87 : i32
      scf.if %cond3A_88 {
        %iota3A = tpu.iota {dimensions = array<i32: 0>} : vector<1024x4000xi32>
        %eq3A_94 = vector.broadcast %get3A_46 : vector<1x4000xi32> to vector<1024x4000xi32>
        %eq3A_95 = arith.cmpi eq, %eq3A_94, %iota3A : vector<1024x4000xi32>
        %convert_element_type3A_96 = arith.extui %eq3A_95 : vector<1024x4000xi1> to vector<1024x4000xi32>
        %convert_element_type3A_97 = arith.sitofp %convert_element_type3A_96 : vector<1024x4000xi32> to vector<1024x4000xf32>
        %convert_element_type3A_98 = arith.truncf %convert_element_type3A_97 : vector<1024x4000xf32> to vector<1024x4000xbf16>
        %get3A_99 = arith.constant 0 : index
        %get3A_100 = arith.constant 0 : index
        %get3A_101 = vector.load %arg13[%get3A_99, %get3A_100] : memref<1152x128xbf16, #tpu.memory_space<vmem>>, vector<1024x128xbf16>
        %dot_general3A_102 = arith.constant dense<0.000000e+00> : vector<4000x128xf32>
        %dot_general3A_103 = tpu.matmul %convert_element_type3A_98, %get3A_101, %dot_general3A_102 {dimension_numbers = #tpu.dot_dimension_numbers<[0], [0], [1], [1], [0, 1, 1, 1], [], []>, transpose_lhs_hint = false} : vector<1024x4000xbf16>, vector<1024x128xbf16>, vector<4000x128xf32> -> vector<4000x128xf32>
        %add3A_104 = arith.addf %dot_general3A_50, %dot_general3A_103 : vector<4000x128xf32>
        %neg3A = arith.constant 0.000000e+00 : f32
        %neg3A_105 = vector.broadcast %neg3A : f32 to vector<4000x128xf32>
        %neg3A_106 = arith.subf %neg3A_105, %add3A_104 : vector<4000x128xf32>
        %exp3A = math.exp %neg3A_106 : vector<4000x128xf32>
        %add3A_107 = arith.constant 1.000000e+00 : f32
        %add3A_108 = vector.broadcast %add3A_107 : f32 to vector<4000x128xf32>
        %add3A_109 = arith.addf %add3A_108, %exp3A : vector<4000x128xf32>
        %div3A_110 = arith.constant 1.000000e+00 : f32
        %div3A_111 = vector.broadcast %div3A_110 : f32 to vector<4000x128xf32>
        %div3A_112 = arith.divf %div3A_111, %add3A_109 : vector<4000x128xf32>
        %get3A_113 = arith.constant 0 : index
        %get3A_114 = arith.constant 0 : index
        %get3A_115 = vector.load %arg8[%get3A_113, %get3A_114] : memref<1x128xf32, #tpu.memory_space<vmem>>, vector<1x128xf32>
        %dot_general3A_116 = arith.constant dense<0.000000e+00> : vector<4000x1xf32>
        %dot_general3A_117 = tpu.matmul %div3A_112, %get3A_115, %dot_general3A_116 {dimension_numbers = #tpu.dot_dimension_numbers<[1], [1], [0], [0], [0, 0, 1, 0], [], []>, transpose_lhs_hint = false} : vector<4000x128xf32>, vector<1x128xf32>, vector<4000x1xf32> -> vector<4000x1xf32>
        %exp3A_118 = math.exp %dot_general3A_117 : vector<4000x1xf32>
        %convert_element_type3A_119 = arith.truncf %exp3A_118 : vector<4000x1xf32> to vector<4000x1xbf16>
        %broadcast_in_dim3A = vector.shape_cast %convert_element_type3A_119 : vector<4000x1xbf16> to vector<4000x1xbf16>
        %broadcast_in_dim3A_120 = vector.broadcast %broadcast_in_dim3A : vector<4000x1xbf16> to vector<4000x128xbf16>
        %mul3A_121 = vector.broadcast %exp3A_118 : vector<4000x1xf32> to vector<4000x128xf32>
        %mul3A_122 = arith.mulf %add3A_41, %mul3A_121 : vector<4000x128xf32>
        %convert_element_type3A_123 = arith.truncf %mul3A_122 : vector<4000x128xf32> to vector<4000x128xbf16>
        %concatenate3A = tpu.concatenate %convert_element_type3A_123, %broadcast_in_dim3A_120 in 1 : vector<4000x128xbf16>, vector<4000x128xbf16> -> vector<4000x256xbf16>
        %get3A_124 = arith.constant 0 : index
        %get3A_125 = arith.constant 0 : index
        %get3A_126 = vector.load %arg14[%get3A_124, %get3A_125] : memref<1152x256xf32, #tpu.memory_space<vmem>>, vector<1024x256xf32>
        %dot_general3A_127 = arith.constant dense<0.000000e+00> : vector<1024x256xf32>
        %dot_general3A_128 = tpu.matmul %convert_element_type3A_98, %concatenate3A, %dot_general3A_127 {dimension_numbers = #tpu.dot_dimension_numbers<[1], [0], [0], [1], [0, 0, 1, 1], [], []>, transpose_lhs_hint = false} : vector<1024x4000xbf16>, vector<4000x256xbf16>, vector<1024x256xf32> -> vector<1024x256xf32>
        %add3A_129 = arith.addf %get3A_126, %dot_general3A_128 : vector<1024x256xf32>
        %swap3A = arith.constant 0 : index
        %swap3A_130 = arith.constant 0 : index
        %swap3A_131 = vector.load %arg14[%swap3A, %swap3A_130] : memref<1152x256xf32, #tpu.memory_space<vmem>>, vector<1024x256xf32>
        tpu.vector_store %arg14[%swap3A, %swap3A_130], %add3A_129 {strides = array<i32>} : memref<1152x256xf32, #tpu.memory_space<vmem>>, vector<1024x256xf32>,
      } else {
      }
      %eq3A_89 = arith.constant 24 : i32
      %eq3A_90 = arith.cmpi eq, %arg1, %eq3A_89 : i32
      %convert_element_type3A_91 = arith.extui %eq3A_90 : i1 to i32
      %cond3A_92 = arith.constant 0 : i32
      %cond3A_93 = arith.cmpi ne, %convert_element_type3A_91, %cond3A_92 : i32
      scf.if %cond3A_93 {
        %get3A_94 = arith.constant 0 : index
        %get3A_95 = arith.constant 128 : index
        %get3A_96 = vector.load %arg14[%get3A_94, %get3A_95] : memref<1152x256xf32, #tpu.memory_space<vmem>>, vector<1024x1xf32>
        %gt3A = arith.constant 0.000000e+00 : f32
        %gt3A_97 = vector.broadcast %gt3A : f32 to vector<1024x1xf32>
        %gt3A_98 = arith.cmpf ogt, %get3A_96, %gt3A_97 : vector<1024x1xf32>
        %div3A_99 = arith.constant 1.000000e+00 : f32
        %div3A_100 = vector.broadcast %div3A_99 : f32 to vector<1024x1xf32>
        %div3A_101 = arith.divf %div3A_100, %get3A_96 : vector<1024x1xf32>
        %jit3A_102 = arith.constant 0.000000e+00 : f32
        %broadcast_in_dim3A = vector.broadcast %jit3A_102 : f32 to vector<1024x1xf32>
        %select_n3A_103 = arith.select %gt3A_98, %div3A_101, %broadcast_in_dim3A : vector<1024x1xi1>, vector<1024x1xf32>
        %get3A_104 = arith.constant 0 : index
        %get3A_105 = arith.constant 0 : index
        %get3A_106 = vector.load %arg14[%get3A_104, %get3A_105] : memref<1152x256xf32, #tpu.memory_space<vmem>>, vector<1024x128xf32>
        %mul3A_107 = vector.broadcast %select_n3A_103 : vector<1024x1xf32> to vector<1024x128xf32>
        %mul3A_108 = arith.mulf %get3A_106, %mul3A_107 : vector<1024x128xf32>
        %swap3A = arith.constant 0 : index
        %swap3A_109 = arith.constant 0 : index
        %swap3A_110 = vector.load %arg11[%swap3A, %swap3A_109] : memref<1024x128xf32, #tpu.memory_space<vmem>>, vector<1024x128xf32>
        tpu.vector_store %arg11[%swap3A, %swap3A_109], %mul3A_108 {strides = array<i32>} : memref<1024x128xf32, #tpu.memory_space<vmem>>, vector<1024x128xf32>,
      } else {
      }
    } else {
    }
    return
  }
  func.func @transform_0(%arg0: i32, %arg1: i32) -> (i32, i32) {
    %c0_i32 = arith.constant 0 : i32
    %c0_i32_0 = arith.constant 0 : i32
    return %arg1, %c0_i32 : i32, i32
  }
  func.func @transform_1(%arg0: i32, %arg1: i32) -> (i32, i32, i32) {
    %mul3A = arith.muli %arg1, %arg0 : i32
    %c0_i32 = arith.constant 0 : i32
    %c0_i32_0 = arith.constant 0 : i32
    %c0_i32_1 = arith.constant 0 : i32
    return %mul3A, %c0_i32, %c0_i32_0 : i32, i32, i32
  }
  func.func @transform_2(%arg0: i32, %arg1: i32) -> (i32, i32) {
    %c0_i32 = arith.constant 0 : i32
    %c0_i32_0 = arith.constant 0 : i32
    %c0_i32_1 = arith.constant 0 : i32
    return %c0_i32, %c0_i32_0 : i32, i32
  }
  func.func @transform_3(%arg0: i32, %arg1: i32) -> (i32, i32) {
    %c0_i32 = arith.constant 0 : i32
    %c0_i32_0 = arith.constant 0 : i32
    %c0_i32_1 = arith.constant 0 : i32
    return %c0_i32, %c0_i32_0 : i32, i32
  }
  func.func @transform_4(%arg0: i32, %arg1: i32) -> (i32, i32) {
    %c0_i32 = arith.constant 0 : i32
    %c0_i32_0 = arith.constant 0 : i32
    %c0_i32_1 = arith.constant 0 : i32
    return %c0_i32, %c0_i32_0 : i32, i32
  }
  func.func @transform_5(%arg0: i32, %arg1: i32) -> (i32, i32) {
    %c0_i32 = arith.constant 0 : i32
    %c0_i32_0 = arith.constant 0 : i32
    %c0_i32_1 = arith.constant 0 : i32
    return %c0_i32, %c0_i32_0 : i32, i32
  }
  func.func @transform_6(%arg0: i32, %arg1: i32) -> (i32, i32) {
    %c0_i32 = arith.constant 0 : i32
    %c0_i32_0 = arith.constant 0 : i32
    %c0_i32_1 = arith.constant 0 : i32
    return %c0_i32, %c0_i32_0 : i32, i32
  }
  func.func @transform_7(%arg0: i32, %arg1: i32) -> (i32, i32) {
    %c0_i32 = arith.constant 0 : i32
    %c0_i32_0 = arith.constant 0 : i32
    %c0_i32_1 = arith.constant 0 : i32
    return %c0_i32, %c0_i32_0 : i32, i32
  }
  func.func @transform_8(%arg0: i32, %arg1: i32) -> (i32, i32) {
    %c0_i32 = arith.constant 0 : i32
    %c0_i32_0 = arith.constant 0 : i32
    %c0_i32_1 = arith.constant 0 : i32
    return %c0_i32, %c0_i32_0 : i32, i32
  }
  func.func @transform_9(%arg0: i32, %arg1: i32) -> (i32, i32) {
    %c0_i32 = arith.constant 0 : i32
    %c0_i32_0 = arith.constant 0 : i32
    %c0_i32_1 = arith.constant 0 : i32
    return %c0_i32, %c0_i32_0 : i32, i32
  }
}

</mosaic_0001>

<sc_bundles>
// kernel: kernel.4.cloned.1.call-start
scs
__scs_entry_jumppad:
0x0: {  	(pc) =	sbr.rel $0x88, $3  }
0x1: {  	(tag) =	ssettag $0x0;
	lr =	simm.s32 $0x1  }
0x2: {  	[smem:$0x3F98] =	sst lr;
	_ =	strace $0xD0000000  }
0x3: {  	_ = 	snop  }
0x4: {  	_ = 	snop  }
0x5: {  	_ = 	snop  }
0x6: {  	_ = 	snop  }
0x7: {  	_ = 	snop  }
__scs_overlays_trampoline_lowered:
0x8: {  	[smem:$0x3FA7] =	sst s0  }
0x9: {  	[smem:$0x3FA8] =	sst s1  }
0xa: {  	[smem:$0x3FA9] =	sst s2  }
0xb: {  	[smem:$0x3FAA] =	sst s3  }
0xc: {  	[smem:$0x3FAB] =	sst s4  }
0xd: {  	[smem:$0x3FAC] =	sst s5  }
0xe: {  	[smem:$0x3FAD] =	sst s6  }
0xf: {  	[smem:$0x3FAE] =	sst s7  }
0x10: {  	[smem:$0x3FAF] =	sst s8  }
0x11: {  	[smem:$0x3FB0] =	sst s9;
	s0 =	simm.s32 @!p0 $0x0  }
0x12: {  	s1 =	sld [smem:$0x3F96];
	s0 =	simm.s32 @p0 $0x1  }
0x13: {  	[smem:$0x3FB1] =	sst s0;
	s0 =	simm.s32 @!p1 $0x0  }
0x14: {  	s2 =	sld [smem:$0x3F95];
	s0 =	simm.s32 @p1 $0x1  }
0x15: {  	[smem:$0x3FB2] =	sst s0;
	s0 =	simm.s32 @!p2 $0x0  }
0x16: {  	s3 =	sld [smem:$0x3FDB];
	s0 =	simm.s32 @p2 $0x1  }
0x17: {  	s4 =	simm.s32 $0x1BF5;
	[smem:$0x3FB4] =	sst s0  }
0x18: {  	s0 =	sld [smem:$0x3F97];
	_ =	swait.ge [sflag:s4], $0x0  }
0x19: {  	s7 =	sld [smem:$0x3F98]  }
0x1a: {  	s8 =	sadd.s32 $0xFFFFE003, lr  }
0x1b: {  	s9 =	sadd.s32 $0xFFFFFEF7, lr;
	s5 =	simm.s32 $0xFFFFFFFF;
	p2 =	slt.u32 s8, $0xFFFFF086  }
0x1c: {  	p1 =	slt.u32 s9, $0xF7A;
	s5 =	simm.s32 @!p2 $0x0  }
0x1d: {  	s5 =	simm.s32 @p1 $0x1;
	p0 =	seq.s32 s7, s2  }
0x1e: {  	s7 =	smul.u32 @!p0 $0xF7A, s2;
	p2 =	seq.s32 @!p0 s5, $0x0  }
0x1f: {  	s9 =	smul.u32 $0xF7A, s1;
	s8 =	simm.s32 @!p0 $0x1BF5;
	p2 =	por !p2, p0  }
0x20: {  	[sflag:s8] =	ssyncset.s32 @!p0 $0xFFFFF086;
	s6 =	sadd.s32 @!p0 s3, s7;
	s7 =	simm.s32 @!p0 $0x108  }
0x21: {  	s3 =	sadd.s32 s3, s9;
	s6 =	sadd.s32 @!p0 $0x88, s6;
	s7 =	simm.s32 @p2 $0x1082  }
0x22: {  	[simem:s7], [sflag:s8] =	dma.local @!p0 [hbm:s6], $0xF7A  }
0x23: {  	s9 =	sor.u32 $0xD0000000, s2;
	s6 =	simm.s32 $0x108;
	_ =	swait.ge @!p0 [sflag:s8], $0x0  }
0x24: {  	s3 =	sadd.s32 $0x88, s3;
	s6 =	simm.s32 @!p1 $0x1082;
	[sflag:s4] =	ssyncset.s32 $0xFFFFF086  }
0x25: {  	[simem:s6], [sflag:s4] =	dma.local [hbm:s3], $0xF7A  }
0x26: {  	[smem:$0x3F98] =	sst s1;
	(tag) =	ssettag s2;
	_ =	strace s9  }
0x27: {  	s1 =	sld [smem:$0x3FA8]  }
0x28: {  	s2 =	sld [smem:$0x3FA9]  }
0x29: {  	s4 =	sld [smem:$0x3FAB]  }
0x2a: {  	p0 =	seq.s32 s5, $0x0;
	s5 =	sld [smem:$0x3FAC]  }
0x2b: {  	s6 =	sld [smem:$0x3FAD]  }
0x2c: {  	s7 =	sld [smem:$0x3FAE]  }
0x2d: {  	s3 =	simm.s32 $0x108;
	s8 =	sld [smem:$0x3FAF]  }
0x2e: {  	s3 =	simm.s32 @!p0 $0x1082;
	s9 =	sld [smem:$0x3FB0]  }
0x2f: {  	lr =	sadd.s32 s0, s3;
	s0 =	sld [smem:$0x3FA7]  }
0x30: {  	s3 =	sld [smem:$0x3FAA]  }
0x31: {  	[smem:$0x3FB3] =	sst s10  }
0x32: {  	s10 =	sld [smem:$0x3FB1];
	_ =	sdelay $0x3  }
0x33: {  	p0 =	seq.s32 s10, $0x1;
	s10 =	sld [smem:$0x3FB3];
	_ =	sdelay $0x3  }
0x34: {  	[smem:$0x3FB3] =	sst s10  }
0x35: {  	s10 =	sld [smem:$0x3FB2];
	_ =	sdelay $0x3  }
0x36: {  	p1 =	seq.s32 s10, $0x1;
	s10 =	sld [smem:$0x3FB3];
	_ =	sdelay $0x3  }
0x37: {  	[smem:$0x3FB3] =	sst s10  }
0x38: {  	s10 =	sld [smem:$0x3FB4]  }
0x39: {  	_ = 	snop;
	(pc) =	sbr.ind lr, $3  }
0x3a: {  	_ = 	snop  }
0x3b: {  	_ = 	snop  }
0x3c: {  	p2 =	seq.s32 s10, $0x1;
	s10 =	sld [smem:$0x3FB3]  }
0x3d: {  	_ =	shalt  }
0x3e: {  	_ =	shalt  }
0x3f: {  	_ =	shalt  }
0x40: {  	_ =	shalt  }
0x41: {  	_ =	shalt  }
0x42: {  	_ =	shalt  }
0x43: {  	_ =	shalt  }
0x44: {  	_ =	shalt  }
0x45: {  	_ =	shalt  }
0x46: {  	_ =	shalt  }
0x47: {  	_ =	shalt  }
0x48: {  	_ =	shalt  }
0x49: {  	_ =	shalt  }
0x4a: {  	_ =	shalt  }
0x4b: {  	_ =	shalt  }
0x4c: {  	_ =	shalt  }
0x4d: {  	_ =	shalt  }
0x4e: {  	_ =	shalt  }
0x4f: {  	_ =	shalt  }
0x50: {  	_ =	shalt  }
0x51: {  	_ =	shalt  }
0x52: {  	_ =	shalt  }
0x53: {  	_ =	shalt  }
0x54: {  	_ =	shalt  }
0x55: {  	_ =	shalt  }
0x56: {  	_ =	shalt  }
0x57: {  	_ =	shalt  }
0x58: {  	_ =	shalt  }
0x59: {  	_ =	shalt  }
0x5a: {  	_ =	shalt  }
0x5b: {  	_ =	shalt  }
0x5c: {  	_ =	shalt  }
0x5d: {  	_ =	shalt  }
0x5e: {  	_ =	shalt  }
0x5f: {  	_ =	shalt  }
0x60: {  	_ =	shalt  }
0x61: {  	_ =	shalt  }
0x62: {  	_ =	shalt  }
0x63: {  	_ =	shalt  }
0x64: {  	_ =	shalt  }
0x65: {  	_ =	shalt  }
0x66: {  	_ =	shalt  }
0x67: {  	_ =	shalt  }
0x68: {  	_ =	shalt  }
0x69: {  	_ =	shalt  }
0x6a: {  	_ =	shalt  }
0x6b: {  	_ =	shalt  }
0x6c: {  	_ =	shalt  }
0x6d: {  	_ =	shalt  }
0x6e: {  	_ =	shalt  }
0x6f: {  	_ =	shalt  }
0x70: {  	_ =	shalt  }
0x71: {  	_ =	shalt  }
0x72: {  	_ =	shalt  }
0x73: {  	_ =	shalt  }
0x74: {  	_ =	shalt  }
0x75: {  	_ =	shalt  }
0x76: {  	_ =	shalt  }
0x77: {  	_ =	shalt  }
0x78: {  	_ =	shalt  }
0x79: {  	_ =	shalt  }
0x7a: {  	_ =	shalt  }
0x7b: {  	_ =	shalt  }
0x7c: {  	_ =	shalt  }
0x7d: {  	_ =	shalt  }
0x7e: {  	_ =	shalt  }
0x7f: {  	_ =	shalt  }
0x80: {  	_ =	shalt  }
0x81: {  	_ =	shalt  }
0x82: {  	_ =	shalt  }
0x83: {  	_ =	shalt  }
0x84: {  	_ =	shalt  }
0x85: {  	_ =	shalt  }
0x86: {  	_ =	shalt  }
0x87: {  	_ =	shalt  }
.Lfunc_end0:
.L_simem_size_0:
called_computation_lowered:
.L_overlay_start_0:
0x88: {  	s2 =	sld [smem:$0x3FD9]  }
0x89: {  	s3 =	sld [smem:$0x3FFE];
	_ =	sdelay $0x1  }
0x8a: {  	s1 =	srdreg.scid  }
0x8b: {  	s0 =	sand.u32 $0x1, s1  }
0x8c: {  	s18 =	sshll.u32 s0, $0xA;
	s2 =	sadd.s32 s3, s2  }
0x8d: {  	s2 =	sadd.s32 s2, s18  }
0x8e: {  	[smem:$0x3FBF] =	sst s2  }
0x8f: {  	_ = 	snop  }
0x90: {  	s2 =	sld [smem:$0x3FC9]  }
0x91: {  	s19 =	sld [smem:$0x3FC7]  }
0x92: {  	s4 =	sld [smem:$0x3FD0];
	(tm) =	ssettm $0x1  }
0x93: {  	s5 =	sld [smem:$0x3FFB];
	_ =	sdelay $0x3  }
0x94: {  	_ =	strace s5  }
0x95: {  	s5 =	sld [smem:$0x3FFC];
	_ =	sdelay $0x3  }
0x96: {  	_ =	strace s5  }
0x97: {  	s5 =	sld [smem:$0x3FFD];
	_ =	sdelay $0x3  }
0x98: {  	_ =	strace s5  }
0x99: {  	_ =	strace $0x8FFFFFFF  }
0x9a: {  	s20 =	sld [smem:$0x3FDB];
	_ =	sdelay $0x1  }
0x9b: {  	s6 =	simm.s32 $_scs_section_size  }
0x9c: {  	s7 =	simm.s32 $_size__tile_overlayer_lowered;
	s8 =	simm.s32 $_tile_overlayer_lowered  }
0x9d: {  	s23 =	simm.s32 $0x1BFF;
	s22 =	sshll.u32 s8, $0x1;
	s5 =	sadd.s32 s6, s20  }
0x9e: {  	s9 =	simm.s32 $0x0;
	s21 =	sshll.u32 s7, $0x1;
	s7 =	sadd.s32 s22, s5  }
0x9f: {  	[timem:s9], [sflag:s23] =	dma.local [hbm:s7], s21  }
0xa0: {  	_ =	swait.ge [sflag:s23], s21  }
0xa1: {  	s6 =	ssub.s32 $0x0, s21;
	[sflag:s23] =	ssyncset.done $0x0  }
0xa2: {  	[sflag:s23] =	ssyncadd.s32 s6;
	_ =	sdelay $0x1  }
0xa3: {  	s24 =	simm.s32 $0x1B8B  }
0xa4: {  	_ =	swait.ge [sflag:s24], $0x1  }
0xa5: {  	[sflag:s24] =	ssyncset.done $0x0  }
0xa6: {  	s25 =	simm.s32 $0x1B8E;
	[sflag:s24] =	ssyncadd.s32 $0xFFFFFFFF  }
0xa7: {  	s26 =	simm.s32 $execute0_lowered;
	[smem:$0x3FD2] =	sst s25  }
0xa8: {  	s6 =	sshll.u32 s26, $0x1;
	_ =	strace $0x80000046;
	[dreg:$0x1] =	wrdreg $0xFFFFFFFF  }
0xa9: {  	s28 =	simm.s32 $_size_execute0_lowered;
	s5 =	sadd.s32 s5, s6;
	[dreg:$0x0] =	wrdreg $0x0  }
0xaa: {  	s6 =	sshll.u32 s28, $0x1;
	[dreg:$0x2] =	wrdreg s5  }
0xab: {  	[dreg:$0x3] =	wrdreg s6  }
0xac: {  	[dreg:$0x4] =	wrdreg $0xC0  }
0xad: {  	_ =	task [dreg:s9], $0x5FFFF  }
0xae: {  	[dreg:$0x1] =	wrdreg $0xFFFFFFFF  }
0xaf: {  	[dreg:$0x0] =	wrdreg $0x60  }
0xb0: {  	[dreg:$0x2] =	wrdreg s2  }
0xb1: {  	[dreg:$0x3] =	wrdreg s19  }
0xb2: {  	[dreg:$0x4] =	wrdreg s4  }
0xb3: {  	[dreg:$0x5] =	wrdreg $0x9  }
0xb4: {  	_ =	task.clear_ibuf [dreg:s9], $0x6FFFF;
	_ =	strace $0x90000046  }
0xb5: {  	s29 =	simm.s32 $0x9;
	_ =	strace $0x80000048  }
0xb6: {  	_ =	swait.ge [sflag:s29], $0x1  }
0xb7: {  	[sflag:s29] =	ssyncadd.s32 $0xFFFFFFFF  }
0xb8: {  	_ =	strace $0x90000048  }
0xb9: {  	_ =	sfence  }
0xba: {  	s30 =	sld [smem:$0x0];
	_ =	sdelay $0x2  }
0xbb: {  	s31 =	sshll.u32 s1, $0xD;
	s1 =	sshrl.u32 s1, $0x2  }
0xbc: {  	s3 =	sand.u32 $0x4000, s31;
	s1 =	sadd.s32 s1, s30  }
0xbd: {  	s0 =	sor.u32 s3, s0;
	s1 =	sshll.u32 s1, $0x11  }
0xbe: {  	s0 =	sor.u32 s1, s0  }
0xbf: {  	s0 =	sadd.s32 $0x8F2B, s0  }
0xc0: {  	[sflag:s0] =	ssyncadd.remote.s32 $0x1  }
0xc1: {  	_ =	sfence.sel $0xFFFF  }
0xc2: {  	[dreg:$0x0] =	wrdreg $0xFFFFFFFF;
	(pc) =	sbr.abs _section_cstart, $3  }
0xc3: {  	[dreg:$0x1] =	wrdreg $0xFFFFFFFF  }
0xc4: {  	_ =	task.clear_ibuf [dreg:s9], $0x2FFFF;
	_ =	strace $0x9FFFFFFF  }
0xc5: {  	(tm) =	ssettm $0x7FFFFFFF  }
tec
execute0_lowered:
.L_overlay_start_1:
0x0: {  	(tag) =	ssettag $0x1  }
0x1: {  	s1 =	rddreg [dreg:$0x0]  }
0x2: {  	s2 =	srdreg.scid;
	s4 =	rddreg [dreg:$0x1]  }
0x3: {  	s0 =	stileid.u32;
	s9 =	rddreg [dreg:$0x2];
	s6 =	sand.u32 $0x1, s2  }
0x4: {  	s3 =	simm.s32 $0x0;
	s5 =	sshll.u32 s0, $0x6;
	s7 =	sshll.u32 s6, $0x5  }
0x5: {  	[smem:$0x7FF] =	sst s3;
	s10 =	sor.u32 s7, s5  }
0x6: {  	s2 =	rddreg [dreg:$0x3];
	_ =	strace $0x80000047;
	s5 =	sshrl.u32 s10, $0x3  }
0x7: {  	s11 =	ssub.s32 $0x2, s6;
	s5 =	sadd.s32 s4, s5;
	s4 =	simm.s32 $0x2  }
0x8: {  	[tilespmem:s3], [sflag:$0x2] =	stream.linear.gather [hbm4b:s5+s3], $0x20, $0x38;
	[tilespmem:$0x1080] =	vst v63  }
0x9: {  	s8 =	simm.s32 $0x1;
	s12 =	sshrl.u32 s11, $0x1;
	_ =	swait.ge [sflag:s4], $0x20  }
0xa: {  	s6 =	simm.s32 $0x20;
	s11 =	ssub.s32 s11, s12;
	[sflag:s4] =	ssyncset.done $0x0  }
0xb: {  	s7 =	simm.s32 $0x80;
	s31 =	smax.u32 s11, $0x1;
	[sflag:s4] =	ssyncadd.s32 $0xFFFFFFE0  }
0xc: {  	[tilespmem:s7], [sflag:$0x1] =	stream.indirect.gather [hbm4b:s1+s6], $0x80, s3, s6, $0xb8;
	[tilespmem:$0x1080] =	vst v63  }
0xd: {  	p0 =	sne.s32 s31, $0x1;
	_ =	swait.ge [sflag:s8], $0x1000  }
.Ltmp0:
0xe: {  	s10 =	sshll.u32 s10, $0x4;
	[sflag:s8] =	ssyncset.done $0x0;
	(pc) =	sbr.rel @!p0 .LBB2_2-.Ltmp0, $4  }
0xf: {  	s9 =	sadd.s32 s9, s10;
	[sflag:s8] =	ssyncadd.s32 $0xFFFFF000  }
0x10: {  	[hbm4b:s9+s3] =	stream.linear.scatter [tilespmem:s7], [sflag:$0x2], $0x1000, $0x38;
	[tilespmem:$0x1080] =	vst v63  }
0x11: {  	_ =	swait.ge [sflag:s4], $0x1000  }
0x12: {  	s10 =	sadd.s32 $0xFFFFFFFF, s31;
	[sflag:s4] =	ssyncset.done $0x0  }
.LBB2_1:
0x13: {  	p0 =	sne.s32 s10, $0x1;
	s10 =	sadd.s32 $0xFFFFFFFF, s10;
	[sflag:s4] =	ssyncadd.s32 $0xFFFFF000  }
0x14: {  	[tilespmem:s3], [sflag:$0x2] =	stream.linear.gather [hbm4b:s5+s3], $0x20, $0x38;
	[tilespmem:$0x1080] =	vst v63  }
0x15: {  	_ =	swait.ge [sflag:s4], $0x20  }
0x16: {  	[sflag:s4] =	ssyncset.done $0x0  }
0x17: {  	[sflag:s4] =	ssyncadd.s32 $0xFFFFFFE0  }
0x18: {  	[tilespmem:s7], [sflag:$0x1] =	stream.indirect.gather [hbm4b:s1+s6], $0x80, s3, s6, $0xb8;
	[tilespmem:$0x1080] =	vst v63  }
0x19: {  	_ =	swait.ge [sflag:s8], $0x1000  }
.Ltmp1:
0x1a: {  	[sflag:s8] =	ssyncset.done $0x0;
	(pc) =	sbr.rel @p0 .LBB2_1-.Ltmp1, $4  }
0x1b: {  	[sflag:s8] =	ssyncadd.s32 $0xFFFFF000  }
0x1c: {  	[hbm4b:s9+s3] =	stream.linear.scatter [tilespmem:s7], [sflag:$0x2], $0x1000, $0x38;
	[tilespmem:$0x1080] =	vst v63  }
0x1d: {  	_ =	swait.ge [sflag:s4], $0x1000  }
0x1e: {  	[sflag:s4] =	ssyncset.done $0x0  }
.LBB2_2:
0x1f: {  	[sflag:s4] =	ssyncadd.s32 $0xFFFFF000  }
0x20: {  	_ =	sfence.sel $0x180000  }
0x21: {  	[bflag:$0x0] =	sbarrier.arrive $0xFFFF  }
0x22: {  	p0 =	sne.s32 s0, $0x0;
	_ =	strace $0x90000047  }
0x23: {  	s0 =	sadd.s32 @!p0 $0x100000, s2;
	[bflag:$0x2] =	sbarrier.arrive $0xFFFF  }
0x24: {  	[sflag:s0] =	ssyncadd.tile.s32 @!p0 $0x1;
	_ =	shalt  }
.Lfunc_end2:
_tile_overlayer_lowered:
.L_overlay_start_2:
0x25: {  	(tag) =	ssettag $0x2  }
0x26: {  	s0 =	rddreg [dreg:$0x0];
	s2 =	stileid.u32  }
0x27: {  	s1 =	rddreg [dreg:$0x1];
	p0 =	sne.s32 s2, $0x0  }
0x28: {  	s3 =	rddreg [dreg:$0x2];
	[bflag:$0x3] =	sbarrier.arrive $0xFFFF;
	s2 =	simm.s32 @!p0 $0x1C02  }
0x29: {  	[timem:s3], [sflag:s2] =	dma.local @!p0 [hbm:s0], s1  }
0x2a: {  	s0 =	simm.s32 @!p0 $0x2  }
0x2b: {  	_ =	swait.ge @!p0 [sflag:s0], s1  }
0x2c: {  	s1 =	ssub.s32 @!p0 $0x0, s1;
	[sflag:s0] =	ssyncset.done @!p0 $0x0  }
0x2d: {  	[sflag:s0] =	ssyncadd.s32 @!p0 s1  }
0x2e: {  	[bflag:$0x3] =	sbarrier.arrive $0xFFFF  }
0x2f: {  	_ =	shalt  }

</sc_bundles>
